<compile_context>
chip_gen: v7x
topology: tpu7x:2x2x1
jax: 0.10.2.dev20260603
libtpu: 0.0.44.dev20260713+nightly
codegen_flags: <defaults>
</compile_context>

<pallas_src>
import functools

import jax
import jax.numpy as jnp
from jax import lax
from jax.experimental import pallas as pl
from jax.experimental.pallas import tpu as pltpu
from jax.experimental.pallas import tpu_sc as plsc

_D = 32
_NC = 2
_NS = 16
_NW = _NC * _NS
_NBUF = 4


@functools.partial(jax.jit, static_argnames=("chunk",))
def _sc_embedding_gather(table, idx_flat, *, chunk):
    b = idx_flat.shape[0]
    b_per_w = b // _NW
    n_chunks = b_per_w // chunk
    assert n_chunks % _NBUF == 0 and n_chunks >= _NBUF
    mesh = plsc.VectorSubcoreMesh(core_axis_name="c", subcore_axis_name="s")

    @functools.partial(
        pl.kernel,
        out_type=jax.ShapeDtypeStruct((b, _D), jnp.float32),
        mesh=mesh,
        scratch_types=(
            [pltpu.VMEM((chunk,), jnp.int32) for _ in range(_NBUF)]
            + [pltpu.VMEM((chunk, _D), jnp.float32) for _ in range(_NBUF)]
            + [pltpu.SemaphoreType.DMA for _ in range(2 * _NBUF)]
        ),
        compiler_params=pltpu.CompilerParams(use_tc_tiling_on_sc=False),
    )
    def k(table_hbm, idx_hbm, out_hbm, *scratch):
        idx_v = scratch[:_NBUF]
        rows_v = scratch[_NBUF : 2 * _NBUF]
        gsem = scratch[2 * _NBUF : 3 * _NBUF]
        ssem = scratch[3 * _NBUF : 4 * _NBUF]
        wid = lax.axis_index("s") * _NC + lax.axis_index("c")
        base = wid * b_per_w

        def start_gather(ci, slot):
            off = base + ci * chunk
            pltpu.sync_copy(idx_hbm.at[pl.ds(off, chunk)], idx_v[slot])
            pltpu.async_copy(
                table_hbm.at[idx_v[slot]], rows_v[slot], gsem[slot]
            )

        def wait_gather(slot):
            pltpu.make_async_copy(
                table_hbm.at[idx_v[slot]], rows_v[slot], gsem[slot]
            ).wait()

        def start_store(ci, slot):
            off = base + ci * chunk
            pltpu.async_copy(
                rows_v[slot], out_hbm.at[pl.ds(off, chunk)], ssem[slot]
            )

        def wait_store(ci, slot):
            off = base + ci * chunk
            pltpu.make_async_copy(
                rows_v[slot], out_hbm.at[pl.ds(off, chunk)], ssem[slot]
            ).wait()

        start_gather(0, 0)
        start_gather(1, 1)

        def body(p, carry):
            for s in range(_NBUF):
                i = p * _NBUF + s
                wait_gather(s)
                start_store(i, s)
                nxt = (s + 2) % _NBUF

                @pl.when(jnp.logical_and(i + 2 < n_chunks, i >= 2))
                def _():
                    wait_store(i - 2, nxt)

                @pl.when(i + 2 < n_chunks)
                def _():
                    start_gather(i + 2, nxt)
            return carry

        lax.fori_loop(0, n_chunks // _NBUF, body, 0)
        for j in range(n_chunks - _NBUF, n_chunks):
            wait_store(j, j % _NBUF)

    return k(table, idx_flat)


def kernel(inputs, table):
    b, s = inputs.shape
    idx_flat = inputs.reshape(b * s).astype(jnp.int32)
    out = _sc_embedding_gather(table, idx_flat, chunk=800)
    return out.reshape(b, s, _D)

# --- scband reference (transcript-rebuilt; emitter-appended) ---
"""Pipeline reference for scband-word-embedding-22952305230012 (READ-ONLY COPY).

The authoritative reference and input builder live on the scoring server;
editing this copy changes nothing except your own understanding.
"""

import jax, jax.numpy as jnp
import numpy as np

WORD_VOCAB_SIZE = 1000000
WORD_EMBEDDING_DIM = 32

def setup_inputs(seed: int = 0) -> dict:
    key = jax.random.key(seed)
    k_idx, k_tab = jax.random.split(key)
    inputs = jax.random.randint(k_idx, (4096, 200), 0, WORD_VOCAB_SIZE, dtype=jnp.int64 if jax.config.jax_enable_x64 else jnp.int32)
    # Embedding table parameter (keras Embedding default: uniform init)
    table = jax.random.uniform(k_tab, (WORD_VOCAB_SIZE, WORD_EMBEDDING_DIM), dtype=jnp.float32, minval=-0.05, maxval=0.05)
    return {"inputs": inputs, "table": table}

def reference(inputs, table):
    # WordEmbedding.call -> tf.keras.layers.Embedding lookup
    return jnp.take(table, inputs, axis=0)

if __name__ == "__main__":
    import jax
    _d = setup_inputs()
    print(jax.jit(kernel)(*tuple(_d.values())))

</pallas_src>

<mosaic_0001>
#map = affine_map<(d0, d1) -> (0, 0)>
#map1 = affine_map<(d0, d1) -> (0)>
module attributes {stable_mosaic.version = 14 : i64} {
  func.func @k(%arg0: i32, %arg1: i32, %arg2: memref<1000000x32xf32, #tpu.memory_space<hbm>>, %arg3: memref<819200xi32, #tpu.memory_space<hbm>>, %arg4: memref<819200x32xf32, #tpu.memory_space<hbm>>, %arg5: memref<800xi32, #tpu.memory_space<vmem>>, %arg6: memref<800xi32, #tpu.memory_space<vmem>>, %arg7: memref<800xi32, #tpu.memory_space<vmem>>, %arg8: memref<800xi32, #tpu.memory_space<vmem>>, %arg9: memref<800x32xf32, #tpu.memory_space<vmem>>, %arg10: memref<800x32xf32, #tpu.memory_space<vmem>>, %arg11: memref<800x32xf32, #tpu.memory_space<vmem>>, %arg12: memref<800x32xf32, #tpu.memory_space<vmem>>, %arg13: memref<!tpu.dma_semaphore, #tpu.memory_space<semaphore_mem>>, %arg14: memref<!tpu.dma_semaphore, #tpu.memory_space<semaphore_mem>>, %arg15: memref<!tpu.dma_semaphore, #tpu.memory_space<semaphore_mem>>, %arg16: memref<!tpu.dma_semaphore, #tpu.memory_space<semaphore_mem>>, %arg17: memref<!tpu.dma_semaphore, #tpu.memory_space<semaphore_mem>>, %arg18: memref<!tpu.dma_semaphore, #tpu.memory_space<semaphore_mem>>, %arg19: memref<!tpu.dma_semaphore, #tpu.memory_space<semaphore_mem>>, %arg20: memref<!tpu.dma_semaphore, #tpu.memory_space<semaphore_mem>>) attributes {dimension_semantics = [#tpu.dimension_semantics<core_parallel>, #tpu.dimension_semantics<subcore_parallel>], iteration_bounds = array<i64: 2, 16>, scalar_prefetch = 0 : i64, scratch_operands = 16 : i64, tpu.core_type = #tpu.core_type<sc_vector_subcore>, window_params = [{transform_indices = #map}, {transform_indices = #map1}, {transform_indices = #map}]} {
    %mul3A = arith.constant 2 : i32
    %mul3A_0 = arith.muli %arg1, %mul3A : i32
    %add3A = arith.addi %mul3A_0, %arg0 : i32
    %mul3A_1 = arith.constant 25600 : i32
    %mul3A_2 = arith.muli %add3A, %mul3A_1 : i32
    %add3A_3 = arith.constant 0 : i32
    %add3A_4 = arith.addi %mul3A_2, %add3A_3 : i32
    "tpu.region"() ({
      %run_scoped3A = tpu.sem_alloc : memref<!tpu.dma_semaphore, #tpu.memory_space<semaphore_mem>>
      %dma_start3A_40 = tpu.memref_slice %arg3[%add3A_4] : memref<819200xi32, #tpu.memory_space<hbm>> -> memref<800xi32, #tpu.memory_space<hbm>>
      %dma_start3A_41 = tpu.memref_slice %arg3[%add3A_4] : memref<819200xi32, #tpu.memory_space<hbm>> -> memref<800xi32, #tpu.memory_space<hbm>>
      tpu.enqueue_dma source(%dma_start3A_41 : memref<800xi32, #tpu.memory_space<hbm>>) target(%arg5 : memref<800xi32, #tpu.memory_space<vmem>>) target_semaphore(%run_scoped3A : memref<!tpu.dma_semaphore, #tpu.memory_space<semaphore_mem>>)
      %dma_wait3A_42 = tpu.memref_slice %arg3[%add3A_4] : memref<819200xi32, #tpu.memory_space<hbm>> -> memref<800xi32, #tpu.memory_space<hbm>>
      %dma_wait3A_43 = tpu.memref_slice %arg3[%add3A_4] : memref<819200xi32, #tpu.memory_space<hbm>> -> memref<800xi32, #tpu.memory_space<hbm>>
      tpu.wait_dma2 semaphore(%run_scoped3A : memref<!tpu.dma_semaphore, #tpu.memory_space<semaphore_mem>>) src(%dma_wait3A_43 : memref<800xi32, #tpu.memory_space<hbm>>) dst(%arg5 : memref<800xi32, #tpu.memory_space<vmem>>)
      tpu.yield
    }) : () -> ()
    %dma_start3A = arith.constant 0 : i32
    %dma_start3A_5 = arith.constant 0 : i32
    %dma_start3A_6 = tpu.memref_slice %arg2[%dma_start3A, %dma_start3A_5] : memref<1000000x32xf32, #tpu.memory_space<hbm>> -> memref<1000000x32xf32, #tpu.memory_space<hbm>>
    tpu.enqueue_indirect_dma source(%dma_start3A_6 : memref<1000000x32xf32, #tpu.memory_space<hbm>>) target(%arg9 : memref<800x32xf32, #tpu.memory_space<vmem>>) offsets(%arg5 : memref<800xi32, #tpu.memory_space<vmem>>) semaphore(%arg13 : memref<!tpu.dma_semaphore, #tpu.memory_space<semaphore_mem>>)
    %add3A_7 = arith.constant 800 : i32
    %add3A_8 = arith.addi %mul3A_2, %add3A_7 : i32
    "tpu.region"() ({
      %run_scoped3A = tpu.sem_alloc : memref<!tpu.dma_semaphore, #tpu.memory_space<semaphore_mem>>
      %dma_start3A_40 = tpu.memref_slice %arg3[%add3A_8] : memref<819200xi32, #tpu.memory_space<hbm>> -> memref<800xi32, #tpu.memory_space<hbm>>
      %dma_start3A_41 = tpu.memref_slice %arg3[%add3A_8] : memref<819200xi32, #tpu.memory_space<hbm>> -> memref<800xi32, #tpu.memory_space<hbm>>
      tpu.enqueue_dma source(%dma_start3A_41 : memref<800xi32, #tpu.memory_space<hbm>>) target(%arg6 : memref<800xi32, #tpu.memory_space<vmem>>) target_semaphore(%run_scoped3A : memref<!tpu.dma_semaphore, #tpu.memory_space<semaphore_mem>>)
      %dma_wait3A_42 = tpu.memref_slice %arg3[%add3A_8] : memref<819200xi32, #tpu.memory_space<hbm>> -> memref<800xi32, #tpu.memory_space<hbm>>
      %dma_wait3A_43 = tpu.memref_slice %arg3[%add3A_8] : memref<819200xi32, #tpu.memory_space<hbm>> -> memref<800xi32, #tpu.memory_space<hbm>>
      tpu.wait_dma2 semaphore(%run_scoped3A : memref<!tpu.dma_semaphore, #tpu.memory_space<semaphore_mem>>) src(%dma_wait3A_43 : memref<800xi32, #tpu.memory_space<hbm>>) dst(%arg6 : memref<800xi32, #tpu.memory_space<vmem>>)
      tpu.yield
    }) : () -> ()
    %dma_start3A_9 = arith.constant 0 : i32
    %dma_start3A_10 = arith.constant 0 : i32
    %dma_start3A_11 = tpu.memref_slice %arg2[%dma_start3A_9, %dma_start3A_10] : memref<1000000x32xf32, #tpu.memory_space<hbm>> -> memref<1000000x32xf32, #tpu.memory_space<hbm>>
    tpu.enqueue_indirect_dma source(%dma_start3A_11 : memref<1000000x32xf32, #tpu.memory_space<hbm>>) target(%arg10 : memref<800x32xf32, #tpu.memory_space<vmem>>) offsets(%arg6 : memref<800xi32, #tpu.memory_space<vmem>>) semaphore(%arg14 : memref<!tpu.dma_semaphore, #tpu.memory_space<semaphore_mem>>)
    %scan3A = arith.constant 0 : i32
    %scan3A_12 = arith.constant 0 : i32
    %scan3A_13 = arith.constant 8 : i32
    %scan3A_14 = arith.addi %scan3A_12, %scan3A_13 : i32
    %scan3A_15 = arith.constant 1 : i32
    scf.for %scan3A_40 = %scan3A_12 to %scan3A_14 step %scan3A_15  : i32 {
      %mul3A_41 = arith.constant 4 : i32
      %mul3A_42 = arith.muli %scan3A_40, %mul3A_41 : i32
      %add3A_43 = arith.constant 0 : i32
      %add3A_44 = arith.addi %mul3A_42, %add3A_43 : i32
      %dma_wait3A_45 = arith.constant 0 : i32
      %dma_wait3A_46 = arith.constant 0 : i32
      %dma_wait3A_47 = tpu.memref_slice %arg2[%dma_wait3A_45, %dma_wait3A_46] : memref<1000000x32xf32, #tpu.memory_space<hbm>> -> memref<1000000x32xf32, #tpu.memory_space<hbm>>
      tpu.wait_indirect_dma semaphore(%arg13 : memref<!tpu.dma_semaphore, #tpu.memory_space<semaphore_mem>>) src(%dma_wait3A_47 : memref<1000000x32xf32, #tpu.memory_space<hbm>>) dst(%arg9 : memref<800x32xf32, #tpu.memory_space<vmem>>)
      %mul3A_48 = arith.constant 800 : i32
      %mul3A_49 = arith.muli %add3A_44, %mul3A_48 : i32
      %add3A_50 = arith.addi %mul3A_2, %mul3A_49 : i32
      %dma_start3A_51 = arith.constant 0 : i32
      %dma_start3A_52 = tpu.memref_slice %arg4[%add3A_50, %dma_start3A_51] : memref<819200x32xf32, #tpu.memory_space<hbm>> -> memref<800x32xf32, #tpu.memory_space<hbm>>
      %dma_start3A_53 = arith.constant 0 : i32
      %dma_start3A_54 = tpu.memref_slice %arg4[%add3A_50, %dma_start3A_53] : memref<819200x32xf32, #tpu.memory_space<hbm>> -> memref<800x32xf32, #tpu.memory_space<hbm>>
      tpu.enqueue_dma source(%arg9 : memref<800x32xf32, #tpu.memory_space<vmem>>) target(%dma_start3A_54 : memref<800x32xf32, #tpu.memory_space<hbm>>) target_semaphore(%arg17 : memref<!tpu.dma_semaphore, #tpu.memory_space<semaphore_mem>>)
      %add3A_55 = arith.constant 2 : i32
      %add3A_56 = arith.addi %add3A_44, %add3A_55 : i32
      %lt3A = arith.constant 32 : i32
      %lt3A_57 = arith.cmpi slt, %add3A_56, %lt3A : i32
      %ge3A = arith.constant 2 : i32
      %ge3A_58 = arith.cmpi sge, %add3A_44, %ge3A : i32
      %and3A = arith.andi %lt3A_57, %ge3A_58 : i1
      %convert_element_type3A = arith.extui %and3A : i1 to i32
      %cond3A = arith.constant 0 : i32
      %cond3A_59 = arith.cmpi ne, %convert_element_type3A, %cond3A : i32
      scf.if %cond3A_59 {
        %sub3A = arith.constant 2 : i32
        %sub3A_160 = arith.subi %add3A_44, %sub3A : i32
        %mul3A_161 = arith.constant 800 : i32
        %mul3A_162 = arith.muli %sub3A_160, %mul3A_161 : i32
        %add3A_163 = arith.addi %mul3A_2, %mul3A_162 : i32
        %dma_wait3A_164 = arith.constant 0 : i32
        %dma_wait3A_165 = tpu.memref_slice %arg4[%add3A_163, %dma_wait3A_164] : memref<819200x32xf32, #tpu.memory_space<hbm>> -> memref<800x32xf32, #tpu.memory_space<hbm>>
        %dma_wait3A_166 = arith.constant 0 : i32
        %dma_wait3A_167 = tpu.memref_slice %arg4[%add3A_163, %dma_wait3A_166] : memref<819200x32xf32, #tpu.memory_space<hbm>> -> memref<800x32xf32, #tpu.memory_space<hbm>>
        tpu.wait_dma2 semaphore(%arg19 : memref<!tpu.dma_semaphore, #tpu.memory_space<semaphore_mem>>) src(%arg11 : memref<800x32xf32, #tpu.memory_space<vmem>>) dst(%dma_wait3A_167 : memref<800x32xf32, #tpu.memory_space<hbm>>)
      } else {
      }
      %add3A_60 = arith.constant 2 : i32
      %add3A_61 = arith.addi %add3A_44, %add3A_60 : i32
      %lt3A_62 = arith.constant 32 : i32
      %lt3A_63 = arith.cmpi slt, %add3A_61, %lt3A_62 : i32
      %convert_element_type3A_64 = arith.extui %lt3A_63 : i1 to i32
      %cond3A_65 = arith.constant 0 : i32
      %cond3A_66 = arith.cmpi ne, %convert_element_type3A_64, %cond3A_65 : i32
      scf.if %cond3A_66 {
        %add3A_160 = arith.constant 2 : i32
        %add3A_161 = arith.addi %add3A_44, %add3A_160 : i32
        %mul3A_162 = arith.constant 800 : i32
        %mul3A_163 = arith.muli %add3A_161, %mul3A_162 : i32
        %add3A_164 = arith.addi %mul3A_2, %mul3A_163 : i32
        "tpu.region"() ({
          %run_scoped3A = tpu.sem_alloc : memref<!tpu.dma_semaphore, #tpu.memory_space<semaphore_mem>>
          %dma_start3A_168 = tpu.memref_slice %arg3[%add3A_164] : memref<819200xi32, #tpu.memory_space<hbm>> -> memref<800xi32, #tpu.memory_space<hbm>>
          %dma_start3A_169 = tpu.memref_slice %arg3[%add3A_164] : memref<819200xi32, #tpu.memory_space<hbm>> -> memref<800xi32, #tpu.memory_space<hbm>>
          tpu.enqueue_dma source(%dma_start3A_169 : memref<800xi32, #tpu.memory_space<hbm>>) target(%arg7 : memref<800xi32, #tpu.memory_space<vmem>>) target_semaphore(%run_scoped3A : memref<!tpu.dma_semaphore, #tpu.memory_space<semaphore_mem>>)
          %dma_wait3A_170 = tpu.memref_slice %arg3[%add3A_164] : memref<819200xi32, #tpu.memory_space<hbm>> -> memref<800xi32, #tpu.memory_space<hbm>>
          %dma_wait3A_171 = tpu.memref_slice %arg3[%add3A_164] : memref<819200xi32, #tpu.memory_space<hbm>> -> memref<800xi32, #tpu.memory_space<hbm>>
          tpu.wait_dma2 semaphore(%run_scoped3A : memref<!tpu.dma_semaphore, #tpu.memory_space<semaphore_mem>>) src(%dma_wait3A_171 : memref<800xi32, #tpu.memory_space<hbm>>) dst(%arg7 : memref<800xi32, #tpu.memory_space<vmem>>)
          tpu.yield
        }) : () -> ()
        %dma_start3A_165 = arith.constant 0 : i32
        %dma_start3A_166 = arith.constant 0 : i32
        %dma_start3A_167 = tpu.memref_slice %arg2[%dma_start3A_165, %dma_start3A_166] : memref<1000000x32xf32, #tpu.memory_space<hbm>> -> memref<1000000x32xf32, #tpu.memory_space<hbm>>
        tpu.enqueue_indirect_dma source(%dma_start3A_167 : memref<1000000x32xf32, #tpu.memory_space<hbm>>) target(%arg11 : memref<800x32xf32, #tpu.memory_space<vmem>>) offsets(%arg7 : memref<800xi32, #tpu.memory_space<vmem>>) semaphore(%arg15 : memref<!tpu.dma_semaphore, #tpu.memory_space<semaphore_mem>>)
      } else {
      }
      %mul3A_67 = arith.constant 4 : i32
      %mul3A_68 = arith.muli %scan3A_40, %mul3A_67 : i32
      %add3A_69 = arith.constant 1 : i32
      %add3A_70 = arith.addi %mul3A_68, %add3A_69 : i32
      %dma_wait3A_71 = arith.constant 0 : i32
      %dma_wait3A_72 = arith.constant 0 : i32
      %dma_wait3A_73 = tpu.memref_slice %arg2[%dma_wait3A_71, %dma_wait3A_72] : memref<1000000x32xf32, #tpu.memory_space<hbm>> -> memref<1000000x32xf32, #tpu.memory_space<hbm>>
      tpu.wait_indirect_dma semaphore(%arg14 : memref<!tpu.dma_semaphore, #tpu.memory_space<semaphore_mem>>) src(%dma_wait3A_73 : memref<1000000x32xf32, #tpu.memory_space<hbm>>) dst(%arg10 : memref<800x32xf32, #tpu.memory_space<vmem>>)
      %mul3A_74 = arith.constant 800 : i32
      %mul3A_75 = arith.muli %add3A_70, %mul3A_74 : i32
      %add3A_76 = arith.addi %mul3A_2, %mul3A_75 : i32
      %dma_start3A_77 = arith.constant 0 : i32
      %dma_start3A_78 = tpu.memref_slice %arg4[%add3A_76, %dma_start3A_77] : memref<819200x32xf32, #tpu.memory_space<hbm>> -> memref<800x32xf32, #tpu.memory_space<hbm>>
      %dma_start3A_79 = arith.constant 0 : i32
      %dma_start3A_80 = tpu.memref_slice %arg4[%add3A_76, %dma_start3A_79] : memref<819200x32xf32, #tpu.memory_space<hbm>> -> memref<800x32xf32, #tpu.memory_space<hbm>>
      tpu.enqueue_dma source(%arg10 : memref<800x32xf32, #tpu.memory_space<vmem>>) target(%dma_start3A_80 : memref<800x32xf32, #tpu.memory_space<hbm>>) target_semaphore(%arg18 : memref<!tpu.dma_semaphore, #tpu.memory_space<semaphore_mem>>)
      %add3A_81 = arith.constant 2 : i32
      %add3A_82 = arith.addi %add3A_70, %add3A_81 : i32
      %lt3A_83 = arith.constant 32 : i32
      %lt3A_84 = arith.cmpi slt, %add3A_82, %lt3A_83 : i32
      %ge3A_85 = arith.constant 2 : i32
      %ge3A_86 = arith.cmpi sge, %add3A_70, %ge3A_85 : i32
      %and3A_87 = arith.andi %lt3A_84, %ge3A_86 : i1
      %convert_element_type3A_88 = arith.extui %and3A_87 : i1 to i32
      %cond3A_89 = arith.constant 0 : i32
      %cond3A_90 = arith.cmpi ne, %convert_element_type3A_88, %cond3A_89 : i32
      scf.if %cond3A_90 {
        %sub3A = arith.constant 2 : i32
        %sub3A_160 = arith.subi %add3A_70, %sub3A : i32
        %mul3A_161 = arith.constant 800 : i32
        %mul3A_162 = arith.muli %sub3A_160, %mul3A_161 : i32
        %add3A_163 = arith.addi %mul3A_2, %mul3A_162 : i32
        %dma_wait3A_164 = arith.constant 0 : i32
        %dma_wait3A_165 = tpu.memref_slice %arg4[%add3A_163, %dma_wait3A_164] : memref<819200x32xf32, #tpu.memory_space<hbm>> -> memref<800x32xf32, #tpu.memory_space<hbm>>
        %dma_wait3A_166 = arith.constant 0 : i32
        %dma_wait3A_167 = tpu.memref_slice %arg4[%add3A_163, %dma_wait3A_166] : memref<819200x32xf32, #tpu.memory_space<hbm>> -> memref<800x32xf32, #tpu.memory_space<hbm>>
        tpu.wait_dma2 semaphore(%arg20 : memref<!tpu.dma_semaphore, #tpu.memory_space<semaphore_mem>>) src(%arg12 : memref<800x32xf32, #tpu.memory_space<vmem>>) dst(%dma_wait3A_167 : memref<800x32xf32, #tpu.memory_space<hbm>>)
      } else {
      }
      %add3A_91 = arith.constant 2 : i32
      %add3A_92 = arith.addi %add3A_70, %add3A_91 : i32
      %lt3A_93 = arith.constant 32 : i32
      %lt3A_94 = arith.cmpi slt, %add3A_92, %lt3A_93 : i32
      %convert_element_type3A_95 = arith.extui %lt3A_94 : i1 to i32
      %cond3A_96 = arith.constant 0 : i32
      %cond3A_97 = arith.cmpi ne, %convert_element_type3A_95, %cond3A_96 : i32
      scf.if %cond3A_97 {
        %add3A_160 = arith.constant 2 : i32
        %add3A_161 = arith.addi %add3A_70, %add3A_160 : i32
        %mul3A_162 = arith.constant 800 : i32
        %mul3A_163 = arith.muli %add3A_161, %mul3A_162 : i32
        %add3A_164 = arith.addi %mul3A_2, %mul3A_163 : i32
        "tpu.region"() ({
          %run_scoped3A = tpu.sem_alloc : memref<!tpu.dma_semaphore, #tpu.memory_space<semaphore_mem>>
          %dma_start3A_168 = tpu.memref_slice %arg3[%add3A_164] : memref<819200xi32, #tpu.memory_space<hbm>> -> memref<800xi32, #tpu.memory_space<hbm>>
          %dma_start3A_169 = tpu.memref_slice %arg3[%add3A_164] : memref<819200xi32, #tpu.memory_space<hbm>> -> memref<800xi32, #tpu.memory_space<hbm>>
          tpu.enqueue_dma source(%dma_start3A_169 : memref<800xi32, #tpu.memory_space<hbm>>) target(%arg8 : memref<800xi32, #tpu.memory_space<vmem>>) target_semaphore(%run_scoped3A : memref<!tpu.dma_semaphore, #tpu.memory_space<semaphore_mem>>)
          %dma_wait3A_170 = tpu.memref_slice %arg3[%add3A_164] : memref<819200xi32, #tpu.memory_space<hbm>> -> memref<800xi32, #tpu.memory_space<hbm>>
          %dma_wait3A_171 = tpu.memref_slice %arg3[%add3A_164] : memref<819200xi32, #tpu.memory_space<hbm>> -> memref<800xi32, #tpu.memory_space<hbm>>
          tpu.wait_dma2 semaphore(%run_scoped3A : memref<!tpu.dma_semaphore, #tpu.memory_space<semaphore_mem>>) src(%dma_wait3A_171 : memref<800xi32, #tpu.memory_space<hbm>>) dst(%arg8 : memref<800xi32, #tpu.memory_space<vmem>>)
          tpu.yield
        }) : () -> ()
        %dma_start3A_165 = arith.constant 0 : i32
        %dma_start3A_166 = arith.constant 0 : i32
        %dma_start3A_167 = tpu.memref_slice %arg2[%dma_start3A_165, %dma_start3A_166] : memref<1000000x32xf32, #tpu.memory_space<hbm>> -> memref<1000000x32xf32, #tpu.memory_space<hbm>>
        tpu.enqueue_indirect_dma source(%dma_start3A_167 : memref<1000000x32xf32, #tpu.memory_space<hbm>>) target(%arg12 : memref<800x32xf32, #tpu.memory_space<vmem>>) offsets(%arg8 : memref<800xi32, #tpu.memory_space<vmem>>) semaphore(%arg16 : memref<!tpu.dma_semaphore, #tpu.memory_space<semaphore_mem>>)
      } else {
      }
      %mul3A_98 = arith.constant 4 : i32
      %mul3A_99 = arith.muli %scan3A_40, %mul3A_98 : i32
      %add3A_100 = arith.constant 2 : i32
      %add3A_101 = arith.addi %mul3A_99, %add3A_100 : i32
      %dma_wait3A_102 = arith.constant 0 : i32
      %dma_wait3A_103 = arith.constant 0 : i32
      %dma_wait3A_104 = tpu.memref_slice %arg2[%dma_wait3A_102, %dma_wait3A_103] : memref<1000000x32xf32, #tpu.memory_space<hbm>> -> memref<1000000x32xf32, #tpu.memory_space<hbm>>
      tpu.wait_indirect_dma semaphore(%arg15 : memref<!tpu.dma_semaphore, #tpu.memory_space<semaphore_mem>>) src(%dma_wait3A_104 : memref<1000000x32xf32, #tpu.memory_space<hbm>>) dst(%arg11 : memref<800x32xf32, #tpu.memory_space<vmem>>)
      %mul3A_105 = arith.constant 800 : i32
      %mul3A_106 = arith.muli %add3A_101, %mul3A_105 : i32
      %add3A_107 = arith.addi %mul3A_2, %mul3A_106 : i32
      %dma_start3A_108 = arith.constant 0 : i32
      %dma_start3A_109 = tpu.memref_slice %arg4[%add3A_107, %dma_start3A_108] : memref<819200x32xf32, #tpu.memory_space<hbm>> -> memref<800x32xf32, #tpu.memory_space<hbm>>
      %dma_start3A_110 = arith.constant 0 : i32
      %dma_start3A_111 = tpu.memref_slice %arg4[%add3A_107, %dma_start3A_110] : memref<819200x32xf32, #tpu.memory_space<hbm>> -> memref<800x32xf32, #tpu.memory_space<hbm>>
      tpu.enqueue_dma source(%arg11 : memref<800x32xf32, #tpu.memory_space<vmem>>) target(%dma_start3A_111 : memref<800x32xf32, #tpu.memory_space<hbm>>) target_semaphore(%arg19 : memref<!tpu.dma_semaphore, #tpu.memory_space<semaphore_mem>>)
      %add3A_112 = arith.constant 2 : i32
      %add3A_113 = arith.addi %add3A_101, %add3A_112 : i32
      %lt3A_114 = arith.constant 32 : i32
      %lt3A_115 = arith.cmpi slt, %add3A_113, %lt3A_114 : i32
      %ge3A_116 = arith.constant 2 : i32
      %ge3A_117 = arith.cmpi sge, %add3A_101, %ge3A_116 : i32
      %and3A_118 = arith.andi %lt3A_115, %ge3A_117 : i1
      %convert_element_type3A_119 = arith.extui %and3A_118 : i1 to i32
      %cond3A_120 = arith.constant 0 : i32
      %cond3A_121 = arith.cmpi ne, %convert_element_type3A_119, %cond3A_120 : i32
      scf.if %cond3A_121 {
        %sub3A = arith.constant 2 : i32
        %sub3A_160 = arith.subi %add3A_101, %sub3A : i32
        %mul3A_161 = arith.constant 800 : i32
        %mul3A_162 = arith.muli %sub3A_160, %mul3A_161 : i32
        %add3A_163 = arith.addi %mul3A_2, %mul3A_162 : i32
        %dma_wait3A_164 = arith.constant 0 : i32
        %dma_wait3A_165 = tpu.memref_slice %arg4[%add3A_163, %dma_wait3A_164] : memref<819200x32xf32, #tpu.memory_space<hbm>> -> memref<800x32xf32, #tpu.memory_space<hbm>>
        %dma_wait3A_166 = arith.constant 0 : i32
        %dma_wait3A_167 = tpu.memref_slice %arg4[%add3A_163, %dma_wait3A_166] : memref<819200x32xf32, #tpu.memory_space<hbm>> -> memref<800x32xf32, #tpu.memory_space<hbm>>
        tpu.wait_dma2 semaphore(%arg17 : memref<!tpu.dma_semaphore, #tpu.memory_space<semaphore_mem>>) src(%arg9 : memref<800x32xf32, #tpu.memory_space<vmem>>) dst(%dma_wait3A_167 : memref<800x32xf32, #tpu.memory_space<hbm>>)
      } else {
      }
      %add3A_122 = arith.constant 2 : i32
      %add3A_123 = arith.addi %add3A_101, %add3A_122 : i32
      %lt3A_124 = arith.constant 32 : i32
      %lt3A_125 = arith.cmpi slt, %add3A_123, %lt3A_124 : i32
      %convert_element_type3A_126 = arith.extui %lt3A_125 : i1 to i32
      %cond3A_127 = arith.constant 0 : i32
      %cond3A_128 = arith.cmpi ne, %convert_element_type3A_126, %cond3A_127 : i32
      scf.if %cond3A_128 {
        %add3A_160 = arith.constant 2 : i32
        %add3A_161 = arith.addi %add3A_101, %add3A_160 : i32
        %mul3A_162 = arith.constant 800 : i32
        %mul3A_163 = arith.muli %add3A_161, %mul3A_162 : i32
        %add3A_164 = arith.addi %mul3A_2, %mul3A_163 : i32
        "tpu.region"() ({
          %run_scoped3A = tpu.sem_alloc : memref<!tpu.dma_semaphore, #tpu.memory_space<semaphore_mem>>
          %dma_start3A_168 = tpu.memref_slice %arg3[%add3A_164] : memref<819200xi32, #tpu.memory_space<hbm>> -> memref<800xi32, #tpu.memory_space<hbm>>
          %dma_start3A_169 = tpu.memref_slice %arg3[%add3A_164] : memref<819200xi32, #tpu.memory_space<hbm>> -> memref<800xi32, #tpu.memory_space<hbm>>
          tpu.enqueue_dma source(%dma_start3A_169 : memref<800xi32, #tpu.memory_space<hbm>>) target(%arg5 : memref<800xi32, #tpu.memory_space<vmem>>) target_semaphore(%run_scoped3A : memref<!tpu.dma_semaphore, #tpu.memory_space<semaphore_mem>>)
          %dma_wait3A_170 = tpu.memref_slice %arg3[%add3A_164] : memref<819200xi32, #tpu.memory_space<hbm>> -> memref<800xi32, #tpu.memory_space<hbm>>
          %dma_wait3A_171 = tpu.memref_slice %arg3[%add3A_164] : memref<819200xi32, #tpu.memory_space<hbm>> -> memref<800xi32, #tpu.memory_space<hbm>>
          tpu.wait_dma2 semaphore(%run_scoped3A : memref<!tpu.dma_semaphore, #tpu.memory_space<semaphore_mem>>) src(%dma_wait3A_171 : memref<800xi32, #tpu.memory_space<hbm>>) dst(%arg5 : memref<800xi32, #tpu.memory_space<vmem>>)
          tpu.yield
        }) : () -> ()
        %dma_start3A_165 = arith.constant 0 : i32
        %dma_start3A_166 = arith.constant 0 : i32
        %dma_start3A_167 = tpu.memref_slice %arg2[%dma_start3A_165, %dma_start3A_166] : memref<1000000x32xf32, #tpu.memory_space<hbm>> -> memref<1000000x32xf32, #tpu.memory_space<hbm>>
        tpu.enqueue_indirect_dma source(%dma_start3A_167 : memref<1000000x32xf32, #tpu.memory_space<hbm>>) target(%arg9 : memref<800x32xf32, #tpu.memory_space<vmem>>) offsets(%arg5 : memref<800xi32, #tpu.memory_space<vmem>>) semaphore(%arg13 : memref<!tpu.dma_semaphore, #tpu.memory_space<semaphore_mem>>)
      } else {
      }
      %mul3A_129 = arith.constant 4 : i32
      %mul3A_130 = arith.muli %scan3A_40, %mul3A_129 : i32
      %add3A_131 = arith.constant 3 : i32
      %add3A_132 = arith.addi %mul3A_130, %add3A_131 : i32
      %dma_wait3A_133 = arith.constant 0 : i32
      %dma_wait3A_134 = arith.constant 0 : i32
      %dma_wait3A_135 = tpu.memref_slice %arg2[%dma_wait3A_133, %dma_wait3A_134] : memref<1000000x32xf32, #tpu.memory_space<hbm>> -> memref<1000000x32xf32, #tpu.memory_space<hbm>>
      tpu.wait_indirect_dma semaphore(%arg16 : memref<!tpu.dma_semaphore, #tpu.memory_space<semaphore_mem>>) src(%dma_wait3A_135 : memref<1000000x32xf32, #tpu.memory_space<hbm>>) dst(%arg12 : memref<800x32xf32, #tpu.memory_space<vmem>>)
      %mul3A_136 = arith.constant 800 : i32
      %mul3A_137 = arith.muli %add3A_132, %mul3A_136 : i32
      %add3A_138 = arith.addi %mul3A_2, %mul3A_137 : i32
      %dma_start3A_139 = arith.constant 0 : i32
      %dma_start3A_140 = tpu.memref_slice %arg4[%add3A_138, %dma_start3A_139] : memref<819200x32xf32, #tpu.memory_space<hbm>> -> memref<800x32xf32, #tpu.memory_space<hbm>>
      %dma_start3A_141 = arith.constant 0 : i32
      %dma_start3A_142 = tpu.memref_slice %arg4[%add3A_138, %dma_start3A_141] : memref<819200x32xf32, #tpu.memory_space<hbm>> -> memref<800x32xf32, #tpu.memory_space<hbm>>
      tpu.enqueue_dma source(%arg12 : memref<800x32xf32, #tpu.memory_space<vmem>>) target(%dma_start3A_142 : memref<800x32xf32, #tpu.memory_space<hbm>>) target_semaphore(%arg20 : memref<!tpu.dma_semaphore, #tpu.memory_space<semaphore_mem>>)
      %add3A_143 = arith.constant 2 : i32
      %add3A_144 = arith.addi %add3A_132, %add3A_143 : i32
      %lt3A_145 = arith.constant 32 : i32
      %lt3A_146 = arith.cmpi slt, %add3A_144, %lt3A_145 : i32
      %ge3A_147 = arith.constant 2 : i32
      %ge3A_148 = arith.cmpi sge, %add3A_132, %ge3A_147 : i32
      %and3A_149 = arith.andi %lt3A_146, %ge3A_148 : i1
      %convert_element_type3A_150 = arith.extui %and3A_149 : i1 to i32
      %cond3A_151 = arith.constant 0 : i32
      %cond3A_152 = arith.cmpi ne, %convert_element_type3A_150, %cond3A_151 : i32
      scf.if %cond3A_152 {
        %sub3A = arith.constant 2 : i32
        %sub3A_160 = arith.subi %add3A_132, %sub3A : i32
        %mul3A_161 = arith.constant 800 : i32
        %mul3A_162 = arith.muli %sub3A_160, %mul3A_161 : i32
        %add3A_163 = arith.addi %mul3A_2, %mul3A_162 : i32
        %dma_wait3A_164 = arith.constant 0 : i32
        %dma_wait3A_165 = tpu.memref_slice %arg4[%add3A_163, %dma_wait3A_164] : memref<819200x32xf32, #tpu.memory_space<hbm>> -> memref<800x32xf32, #tpu.memory_space<hbm>>
        %dma_wait3A_166 = arith.constant 0 : i32
        %dma_wait3A_167 = tpu.memref_slice %arg4[%add3A_163, %dma_wait3A_166] : memref<819200x32xf32, #tpu.memory_space<hbm>> -> memref<800x32xf32, #tpu.memory_space<hbm>>
        tpu.wait_dma2 semaphore(%arg18 : memref<!tpu.dma_semaphore, #tpu.memory_space<semaphore_mem>>) src(%arg10 : memref<800x32xf32, #tpu.memory_space<vmem>>) dst(%dma_wait3A_167 : memref<800x32xf32, #tpu.memory_space<hbm>>)
      } else {
      }
      %add3A_153 = arith.constant 2 : i32
      %add3A_154 = arith.addi %add3A_132, %add3A_153 : i32
      %lt3A_155 = arith.constant 32 : i32
      %lt3A_156 = arith.cmpi slt, %add3A_154, %lt3A_155 : i32
      %convert_element_type3A_157 = arith.extui %lt3A_156 : i1 to i32
      %cond3A_158 = arith.constant 0 : i32
      %cond3A_159 = arith.cmpi ne, %convert_element_type3A_157, %cond3A_158 : i32
      scf.if %cond3A_159 {
        %add3A_160 = arith.constant 2 : i32
        %add3A_161 = arith.addi %add3A_132, %add3A_160 : i32
        %mul3A_162 = arith.constant 800 : i32
        %mul3A_163 = arith.muli %add3A_161, %mul3A_162 : i32
        %add3A_164 = arith.addi %mul3A_2, %mul3A_163 : i32
        "tpu.region"() ({
          %run_scoped3A = tpu.sem_alloc : memref<!tpu.dma_semaphore, #tpu.memory_space<semaphore_mem>>
          %dma_start3A_168 = tpu.memref_slice %arg3[%add3A_164] : memref<819200xi32, #tpu.memory_space<hbm>> -> memref<800xi32, #tpu.memory_space<hbm>>
          %dma_start3A_169 = tpu.memref_slice %arg3[%add3A_164] : memref<819200xi32, #tpu.memory_space<hbm>> -> memref<800xi32, #tpu.memory_space<hbm>>
          tpu.enqueue_dma source(%dma_start3A_169 : memref<800xi32, #tpu.memory_space<hbm>>) target(%arg6 : memref<800xi32, #tpu.memory_space<vmem>>) target_semaphore(%run_scoped3A : memref<!tpu.dma_semaphore, #tpu.memory_space<semaphore_mem>>)
          %dma_wait3A_170 = tpu.memref_slice %arg3[%add3A_164] : memref<819200xi32, #tpu.memory_space<hbm>> -> memref<800xi32, #tpu.memory_space<hbm>>
          %dma_wait3A_171 = tpu.memref_slice %arg3[%add3A_164] : memref<819200xi32, #tpu.memory_space<hbm>> -> memref<800xi32, #tpu.memory_space<hbm>>
          tpu.wait_dma2 semaphore(%run_scoped3A : memref<!tpu.dma_semaphore, #tpu.memory_space<semaphore_mem>>) src(%dma_wait3A_171 : memref<800xi32, #tpu.memory_space<hbm>>) dst(%arg6 : memref<800xi32, #tpu.memory_space<vmem>>)
          tpu.yield
        }) : () -> ()
        %dma_start3A_165 = arith.constant 0 : i32
        %dma_start3A_166 = arith.constant 0 : i32
        %dma_start3A_167 = tpu.memref_slice %arg2[%dma_start3A_165, %dma_start3A_166] : memref<1000000x32xf32, #tpu.memory_space<hbm>> -> memref<1000000x32xf32, #tpu.memory_space<hbm>>
        tpu.enqueue_indirect_dma source(%dma_start3A_167 : memref<1000000x32xf32, #tpu.memory_space<hbm>>) target(%arg10 : memref<800x32xf32, #tpu.memory_space<vmem>>) offsets(%arg6 : memref<800xi32, #tpu.memory_space<vmem>>) semaphore(%arg14 : memref<!tpu.dma_semaphore, #tpu.memory_space<semaphore_mem>>)
      } else {
      }
    }
    %scan3A_16 = arith.constant 8 : i32
    %add3A_17 = arith.constant 22400 : i32
    %add3A_18 = arith.addi %mul3A_2, %add3A_17 : i32
    %dma_wait3A = arith.constant 0 : i32
    %dma_wait3A_19 = tpu.memref_slice %arg4[%add3A_18, %dma_wait3A] : memref<819200x32xf32, #tpu.memory_space<hbm>> -> memref<800x32xf32, #tpu.memory_space<hbm>>
    %dma_wait3A_20 = arith.constant 0 : i32
    %dma_wait3A_21 = tpu.memref_slice %arg4[%add3A_18, %dma_wait3A_20] : memref<819200x32xf32, #tpu.memory_space<hbm>> -> memref<800x32xf32, #tpu.memory_space<hbm>>
    tpu.wait_dma2 semaphore(%arg17 : memref<!tpu.dma_semaphore, #tpu.memory_space<semaphore_mem>>) src(%arg9 : memref<800x32xf32, #tpu.memory_space<vmem>>) dst(%dma_wait3A_21 : memref<800x32xf32, #tpu.memory_space<hbm>>)
    %add3A_22 = arith.constant 23200 : i32
    %add3A_23 = arith.addi %mul3A_2, %add3A_22 : i32
    %dma_wait3A_24 = arith.constant 0 : i32
    %dma_wait3A_25 = tpu.memref_slice %arg4[%add3A_23, %dma_wait3A_24] : memref<819200x32xf32, #tpu.memory_space<hbm>> -> memref<800x32xf32, #tpu.memory_space<hbm>>
    %dma_wait3A_26 = arith.constant 0 : i32
    %dma_wait3A_27 = tpu.memref_slice %arg4[%add3A_23, %dma_wait3A_26] : memref<819200x32xf32, #tpu.memory_space<hbm>> -> memref<800x32xf32, #tpu.memory_space<hbm>>
    tpu.wait_dma2 semaphore(%arg18 : memref<!tpu.dma_semaphore, #tpu.memory_space<semaphore_mem>>) src(%arg10 : memref<800x32xf32, #tpu.memory_space<vmem>>) dst(%dma_wait3A_27 : memref<800x32xf32, #tpu.memory_space<hbm>>)
    %add3A_28 = arith.constant 24000 : i32
    %add3A_29 = arith.addi %mul3A_2, %add3A_28 : i32
    %dma_wait3A_30 = arith.constant 0 : i32
    %dma_wait3A_31 = tpu.memref_slice %arg4[%add3A_29, %dma_wait3A_30] : memref<819200x32xf32, #tpu.memory_space<hbm>> -> memref<800x32xf32, #tpu.memory_space<hbm>>
    %dma_wait3A_32 = arith.constant 0 : i32
    %dma_wait3A_33 = tpu.memref_slice %arg4[%add3A_29, %dma_wait3A_32] : memref<819200x32xf32, #tpu.memory_space<hbm>> -> memref<800x32xf32, #tpu.memory_space<hbm>>
    tpu.wait_dma2 semaphore(%arg19 : memref<!tpu.dma_semaphore, #tpu.memory_space<semaphore_mem>>) src(%arg11 : memref<800x32xf32, #tpu.memory_space<vmem>>) dst(%dma_wait3A_33 : memref<800x32xf32, #tpu.memory_space<hbm>>)
    %add3A_34 = arith.constant 24800 : i32
    %add3A_35 = arith.addi %mul3A_2, %add3A_34 : i32
    %dma_wait3A_36 = arith.constant 0 : i32
    %dma_wait3A_37 = tpu.memref_slice %arg4[%add3A_35, %dma_wait3A_36] : memref<819200x32xf32, #tpu.memory_space<hbm>> -> memref<800x32xf32, #tpu.memory_space<hbm>>
    %dma_wait3A_38 = arith.constant 0 : i32
    %dma_wait3A_39 = tpu.memref_slice %arg4[%add3A_35, %dma_wait3A_38] : memref<819200x32xf32, #tpu.memory_space<hbm>> -> memref<800x32xf32, #tpu.memory_space<hbm>>
    tpu.wait_dma2 semaphore(%arg20 : memref<!tpu.dma_semaphore, #tpu.memory_space<semaphore_mem>>) src(%arg12 : memref<800x32xf32, #tpu.memory_space<vmem>>) dst(%dma_wait3A_39 : memref<800x32xf32, #tpu.memory_space<hbm>>)
    return
  }
}

</mosaic_0001>

<sc_bundles>
// kernel: _sc_embedding_gather.3.cloned.1.call-start
scs
__scs_entry_jumppad:
0x0: {  	(pc) =	sbr.rel $0x88, $3  }
0x1: {  	(tag) =	ssettag $0x0;
	lr =	simm.s32 $0x1  }
0x2: {  	[smem:$0x3F9F] =	sst lr;
	_ =	strace $0xD0000000  }
0x3: {  	_ = 	snop  }
0x4: {  	_ = 	snop  }
0x5: {  	_ = 	snop  }
0x6: {  	_ = 	snop  }
0x7: {  	_ = 	snop  }
__scs_overlays_trampoline_lowered:
0x8: {  	[smem:$0x3FAE] =	sst s0  }
0x9: {  	[smem:$0x3FAF] =	sst s1  }
0xa: {  	[smem:$0x3FB0] =	sst s2  }
0xb: {  	[smem:$0x3FB1] =	sst s3  }
0xc: {  	[smem:$0x3FB2] =	sst s4  }
0xd: {  	[smem:$0x3FB3] =	sst s5  }
0xe: {  	[smem:$0x3FB4] =	sst s6  }
0xf: {  	[smem:$0x3FB5] =	sst s7  }
0x10: {  	[smem:$0x3FB6] =	sst s8  }
0x11: {  	[smem:$0x3FB7] =	sst s9;
	s0 =	simm.s32 @!p0 $0x0  }
0x12: {  	s1 =	sld [smem:$0x3F9D];
	s0 =	simm.s32 @p0 $0x1  }
0x13: {  	[smem:$0x3FB8] =	sst s0;
	s0 =	simm.s32 @!p1 $0x0  }
0x14: {  	s2 =	sld [smem:$0x3F9C];
	s0 =	simm.s32 @p1 $0x1  }
0x15: {  	[smem:$0x3FB9] =	sst s0;
	s0 =	simm.s32 @!p2 $0x0  }
0x16: {  	s3 =	sld [smem:$0x3FDB];
	s0 =	simm.s32 @p2 $0x1  }
0x17: {  	s4 =	simm.s32 $0x1BF5;
	[smem:$0x3FBB] =	sst s0  }
0x18: {  	s0 =	sld [smem:$0x3F9E];
	_ =	swait.ge [sflag:s4], $0x0  }
0x19: {  	s7 =	sld [smem:$0x3F9F]  }
0x1a: {  	s8 =	sadd.s32 $0xFFFFE003, lr  }
0x1b: {  	s9 =	sadd.s32 $0xFFFFFEF7, lr;
	s5 =	simm.s32 $0xFFFFFFFF;
	p2 =	slt.u32 s8, $0xFFFFF086  }
0x1c: {  	p1 =	slt.u32 s9, $0xF7A;
	s5 =	simm.s32 @!p2 $0x0  }
0x1d: {  	s5 =	simm.s32 @p1 $0x1;
	p0 =	seq.s32 s7, s2  }
0x1e: {  	s7 =	smul.u32 @!p0 $0xF7A, s2;
	p2 =	seq.s32 @!p0 s5, $0x0  }
0x1f: {  	s9 =	smul.u32 $0xF7A, s1;
	s8 =	simm.s32 @!p0 $0x1BF5;
	p2 =	por !p2, p0  }
0x20: {  	[sflag:s8] =	ssyncset.s32 @!p0 $0xFFFFF086;
	s6 =	sadd.s32 @!p0 s3, s7;
	s7 =	simm.s32 @!p0 $0x108  }
0x21: {  	s3 =	sadd.s32 s3, s9;
	s6 =	sadd.s32 @!p0 $0x88, s6;
	s7 =	simm.s32 @p2 $0x1082  }
0x22: {  	[simem:s7], [sflag:s8] =	dma.local @!p0 [hbm:s6], $0xF7A  }
0x23: {  	s9 =	sor.u32 $0xD0000000, s2;
	s6 =	simm.s32 $0x108;
	_ =	swait.ge @!p0 [sflag:s8], $0x0  }
0x24: {  	s3 =	sadd.s32 $0x88, s3;
	s6 =	simm.s32 @!p1 $0x1082;
	[sflag:s4] =	ssyncset.s32 $0xFFFFF086  }
0x25: {  	[simem:s6], [sflag:s4] =	dma.local [hbm:s3], $0xF7A  }
0x26: {  	[smem:$0x3F9F] =	sst s1;
	(tag) =	ssettag s2;
	_ =	strace s9  }
0x27: {  	s1 =	sld [smem:$0x3FAF]  }
0x28: {  	s2 =	sld [smem:$0x3FB0]  }
0x29: {  	s4 =	sld [smem:$0x3FB2]  }
0x2a: {  	p0 =	seq.s32 s5, $0x0;
	s5 =	sld [smem:$0x3FB3]  }
0x2b: {  	s6 =	sld [smem:$0x3FB4]  }
0x2c: {  	s7 =	sld [smem:$0x3FB5]  }
0x2d: {  	s3 =	simm.s32 $0x108;
	s8 =	sld [smem:$0x3FB6]  }
0x2e: {  	s3 =	simm.s32 @!p0 $0x1082;
	s9 =	sld [smem:$0x3FB7]  }
0x2f: {  	lr =	sadd.s32 s0, s3;
	s0 =	sld [smem:$0x3FAE]  }
0x30: {  	s3 =	sld [smem:$0x3FB1]  }
0x31: {  	[smem:$0x3FBA] =	sst s10  }
0x32: {  	s10 =	sld [smem:$0x3FB8];
	_ =	sdelay $0x3  }
0x33: {  	p0 =	seq.s32 s10, $0x1;
	s10 =	sld [smem:$0x3FBA];
	_ =	sdelay $0x3  }
0x34: {  	[smem:$0x3FBA] =	sst s10  }
0x35: {  	s10 =	sld [smem:$0x3FB9];
	_ =	sdelay $0x3  }
0x36: {  	p1 =	seq.s32 s10, $0x1;
	s10 =	sld [smem:$0x3FBA];
	_ =	sdelay $0x3  }
0x37: {  	[smem:$0x3FBA] =	sst s10  }
0x38: {  	s10 =	sld [smem:$0x3FBB]  }
0x39: {  	_ = 	snop;
	(pc) =	sbr.ind lr, $3  }
0x3a: {  	_ = 	snop  }
0x3b: {  	_ = 	snop  }
0x3c: {  	p2 =	seq.s32 s10, $0x1;
	s10 =	sld [smem:$0x3FBA]  }
0x3d: {  	_ =	shalt  }
0x3e: {  	_ =	shalt  }
0x3f: {  	_ =	shalt  }
0x40: {  	_ =	shalt  }
0x41: {  	_ =	shalt  }
0x42: {  	_ =	shalt  }
0x43: {  	_ =	shalt  }
0x44: {  	_ =	shalt  }
0x45: {  	_ =	shalt  }
0x46: {  	_ =	shalt  }
0x47: {  	_ =	shalt  }
0x48: {  	_ =	shalt  }
0x49: {  	_ =	shalt  }
0x4a: {  	_ =	shalt  }
0x4b: {  	_ =	shalt  }
0x4c: {  	_ =	shalt  }
0x4d: {  	_ =	shalt  }
0x4e: {  	_ =	shalt  }
0x4f: {  	_ =	shalt  }
0x50: {  	_ =	shalt  }
0x51: {  	_ =	shalt  }
0x52: {  	_ =	shalt  }
0x53: {  	_ =	shalt  }
0x54: {  	_ =	shalt  }
0x55: {  	_ =	shalt  }
0x56: {  	_ =	shalt  }
0x57: {  	_ =	shalt  }
0x58: {  	_ =	shalt  }
0x59: {  	_ =	shalt  }
0x5a: {  	_ =	shalt  }
0x5b: {  	_ =	shalt  }
0x5c: {  	_ =	shalt  }
0x5d: {  	_ =	shalt  }
0x5e: {  	_ =	shalt  }
0x5f: {  	_ =	shalt  }
0x60: {  	_ =	shalt  }
0x61: {  	_ =	shalt  }
0x62: {  	_ =	shalt  }
0x63: {  	_ =	shalt  }
0x64: {  	_ =	shalt  }
0x65: {  	_ =	shalt  }
0x66: {  	_ =	shalt  }
0x67: {  	_ =	shalt  }
0x68: {  	_ =	shalt  }
0x69: {  	_ =	shalt  }
0x6a: {  	_ =	shalt  }
0x6b: {  	_ =	shalt  }
0x6c: {  	_ =	shalt  }
0x6d: {  	_ =	shalt  }
0x6e: {  	_ =	shalt  }
0x6f: {  	_ =	shalt  }
0x70: {  	_ =	shalt  }
0x71: {  	_ =	shalt  }
0x72: {  	_ =	shalt  }
0x73: {  	_ =	shalt  }
0x74: {  	_ =	shalt  }
0x75: {  	_ =	shalt  }
0x76: {  	_ =	shalt  }
0x77: {  	_ =	shalt  }
0x78: {  	_ =	shalt  }
0x79: {  	_ =	shalt  }
0x7a: {  	_ =	shalt  }
0x7b: {  	_ =	shalt  }
0x7c: {  	_ =	shalt  }
0x7d: {  	_ =	shalt  }
0x7e: {  	_ =	shalt  }
0x7f: {  	_ =	shalt  }
0x80: {  	_ =	shalt  }
0x81: {  	_ =	shalt  }
0x82: {  	_ =	shalt  }
0x83: {  	_ =	shalt  }
0x84: {  	_ =	shalt  }
0x85: {  	_ =	shalt  }
0x86: {  	_ =	shalt  }
0x87: {  	_ =	shalt  }
.Lfunc_end0:
.L_simem_size_0:
called_computation.1_lowered:
.L_overlay_start_0:
0x88: {  	s2 =	sld [smem:$0x3FD9]  }
0x89: {  	s3 =	sld [smem:$0x3FFE];
	_ =	sdelay $0x1  }
0x8a: {  	s1 =	srdreg.scid  }
0x8b: {  	s0 =	sand.u32 $0x1, s1  }
0x8c: {  	s17 =	sshll.u32 s0, $0xA;
	s2 =	sadd.s32 s3, s2  }
0x8d: {  	s2 =	sadd.s32 s2, s17  }
0x8e: {  	[smem:$0x3FC6] =	sst s2  }
0x8f: {  	_ = 	snop  }
0x90: {  	s2 =	sld [smem:$0x3FC8]  }
0x91: {  	s18 =	sld [smem:$0x3FD0];
	(tm) =	ssettm $0x1  }
0x92: {  	s4 =	sld [smem:$0x3FFB];
	_ =	sdelay $0x3  }
0x93: {  	_ =	strace s4  }
0x94: {  	s4 =	sld [smem:$0x3FFC];
	_ =	sdelay $0x3  }
0x95: {  	_ =	strace s4  }
0x96: {  	s4 =	sld [smem:$0x3FFD];
	_ =	sdelay $0x3  }
0x97: {  	_ =	strace s4  }
0x98: {  	_ =	strace $0x8FFFFFFF  }
0x99: {  	s19 =	sld [smem:$0x3FDB];
	_ =	sdelay $0x1  }
0x9a: {  	s5 =	simm.s32 $_scs_section_size  }
0x9b: {  	s6 =	simm.s32 $_size__tile_overlayer_lowered;
	s7 =	simm.s32 $_tile_overlayer_lowered  }
0x9c: {  	s22 =	simm.s32 $0x1BFF;
	s21 =	sshll.u32 s7, $0x1;
	s4 =	sadd.s32 s5, s19  }
0x9d: {  	s8 =	simm.s32 $0x0;
	s20 =	sshll.u32 s6, $0x1;
	s6 =	sadd.s32 s21, s4  }
0x9e: {  	[timem:s8], [sflag:s22] =	dma.local [hbm:s6], s20  }
0x9f: {  	_ =	swait.ge [sflag:s22], s20  }
0xa0: {  	s5 =	ssub.s32 $0x0, s20;
	[sflag:s22] =	ssyncset.done $0x0  }
0xa1: {  	[sflag:s22] =	ssyncadd.s32 s5;
	_ =	sdelay $0x1  }
0xa2: {  	s23 =	simm.s32 $0x1B8B  }
0xa3: {  	_ =	swait.ge [sflag:s23], $0x1  }
0xa4: {  	[sflag:s23] =	ssyncset.done $0x0  }
0xa5: {  	s25 =	simm.s32 $0x1B8E;
	s24 =	sld [smem:$0x3FFE];
	[sflag:s23] =	ssyncadd.s32 $0xFFFFFFFF  }
0xa6: {  	s26 =	simm.s32 $execute0_lowered;
	[smem:$0x3FD2] =	sst s25  }
0xa7: {  	s6 =	sshll.u32 s26, $0x1;
	_ =	strace $0x80000046;
	[dreg:$0x1] =	wrdreg $0xFFFFFFFF  }
0xa8: {  	s28 =	simm.s32 $_size_execute0_lowered;
	s4 =	sadd.s32 s4, s6;
	[dreg:$0x0] =	wrdreg $0x0  }
0xa9: {  	s6 =	sshll.u32 s28, $0x1;
	[dreg:$0x2] =	wrdreg s4  }
0xaa: {  	[dreg:$0x3] =	wrdreg s6  }
0xab: {  	[dreg:$0x4] =	wrdreg $0xC0  }
0xac: {  	_ =	task [dreg:s8], $0x5FFFF  }
0xad: {  	[dreg:$0x1] =	wrdreg $0xFFFFFFFF  }
0xae: {  	[dreg:$0x0] =	wrdreg $0x60  }
0xaf: {  	[dreg:$0x2] =	wrdreg s24  }
0xb0: {  	[dreg:$0x3] =	wrdreg s2  }
0xb1: {  	[dreg:$0x4] =	wrdreg s18  }
0xb2: {  	[dreg:$0x5] =	wrdreg $0x9  }
0xb3: {  	_ =	task.clear_ibuf [dreg:s8], $0x6FFFF;
	_ =	strace $0x90000046  }
0xb4: {  	s29 =	simm.s32 $0x9;
	_ =	strace $0x80000048  }
0xb5: {  	_ =	swait.ge [sflag:s29], $0x1  }
0xb6: {  	[sflag:s29] =	ssyncadd.s32 $0xFFFFFFFF  }
0xb7: {  	_ =	strace $0x90000048  }
0xb8: {  	_ =	sfence  }
0xb9: {  	s30 =	sld [smem:$0x0];
	_ =	sdelay $0x2  }
0xba: {  	s31 =	sshll.u32 s1, $0xD;
	s1 =	sshrl.u32 s1, $0x2  }
0xbb: {  	s3 =	sand.u32 $0x4000, s31;
	s1 =	sadd.s32 s1, s30  }
0xbc: {  	s0 =	sor.u32 s3, s0;
	s1 =	sshll.u32 s1, $0x11  }
0xbd: {  	s0 =	sor.u32 s1, s0  }
0xbe: {  	s0 =	sadd.s32 $0x8F2B, s0  }
0xbf: {  	[sflag:s0] =	ssyncadd.remote.s32 $0x1  }
0xc0: {  	_ =	sfence.sel $0xFFFF  }
0xc1: {  	[dreg:$0x0] =	wrdreg $0xFFFFFFFF;
	(pc) =	sbr.abs _section_cstart, $3  }
0xc2: {  	[dreg:$0x1] =	wrdreg $0xFFFFFFFF  }
0xc3: {  	_ =	task.clear_ibuf [dreg:s8], $0x2FFFF;
	_ =	strace $0x9FFFFFFF  }
0xc4: {  	(tm) =	ssettm $0x7FFFFFFF  }
0xc5: {  	_ =	shalt  }
tec
execute0_lowered:
.L_overlay_start_1:
0x0: {  	(tag) =	ssettag $0x1  }
0x1: {  	s0 =	rddreg [dreg:$0x0]  }
0x2: {  	s2 =	rddreg [dreg:$0x1]  }
0x3: {  	s1 =	srdreg.scid;
	s7 =	stileid.u32  }
0x4: {  	s11 =	rddreg [dreg:$0x2];
	s4 =	simm.s32 $0x0;
	s28 =	simm.s32 $0x13880  }
0x5: {  	s29 =	simm.s32 $0x3;
	s30 =	simm.s32 $0x4;
	s6 =	smul.u32 $0x32000, s7  }
0x6: {  	s1 =	sand.u32 $0x1, s1;
	s3 =	sshll.u32 s7, $0x1;
	s7 =	smul.u32 $0xC800, s7  }
0x7: {  	s31 =	simm.s32 $0x5;
	[smem:$0x7FF] =	sst s4;
	s9 =	smul.u32 $0x6400, s1  }
0x8: {  	s3 =	sor.u32 s1, s3;
	s15 =	ssub.s32 $0x2, s1;
	s1 =	smul.u32 $0x19000, s1  }
0x9: {  	s5 =	sadd.s32 $0xF42C00, s0;
	s3 =	smul.u32 $0x6400, s3;
	s8 =	sshrl.u32 s15, $0x1  }
0xa: {  	_ =	strace $0x80000047;
	s0 =	ssub.s32 s15, s8;
	s16 =	sadd.s32 s9, s7  }
0xb: {  	s17 =	sadd.s32 s1, s6;
	s7 =	simm.s32 $0x0;
	s3 =	sshrl.u32 s3, $0x3  }
0xc: {  	s0 =	smax.u32 s0, $0x1;
	s18 =	sadd.s32 $0x960, s16;
	s19 =	sadd.s32 $0x640, s16  }
0xd: {  	s23 =	sadd.s32 $0xFA0, s16;
	s24 =	sshll.u32 s16, $0x2;
	s8 =	smov.u32 s17  }
0xe: {  	s17 =	sadd.s32 s11, s17;
	s3 =	sadd.s32 s2, s3;
	[dreg:$0x6] =	wrdreg s0  }
0xf: {  	s20 =	sshll.u32 s18, $0x2;
	s1 =	sshrl.u32 s18, $0x3;
	s21 =	sshll.u32 s19, $0x2  }
0x10: {  	s22 =	sshrl.u32 s19, $0x3;
	s25 =	sshrl.u32 s23, $0x3;
	s26 =	sadd.s32 s24, s11  }
0x11: {  	s0 =	sadd.s32 $0xC80, s16;
	s18 =	simm.s32 $0x9;
	s19 =	simm.s32 $0x320  }
0x12: {  	s23 =	simm.s32 $0x640;
	s24 =	simm.s32 $0xD480;
	[dreg:$0x4] =	wrdreg s3  }
0x13: {  	s3 =	sadd.s32 $0x64, s3;
	s10 =	sadd.s32 s20, s11;
	s1 =	sadd.s32 s1, s2  }
0x14: {  	s12 =	sadd.s32 s21, s11;
	[dreg:$0xa] =	wrdreg s0;
	s16 =	sadd.s32 $0xC80, s26  }
.Ltmp0:
0x15: {  	s20 =	simm.s32 $0xC80;
	s21 =	simm.s32 $0x7080;
	(pc) =	sbr.rel .LBB2_1-.Ltmp0, $4  }
0x16: {  	s26 =	simm.s32 $0x960;
	s0 =	simm.s32 $0x7;
	[dreg:$0x5] =	wrdreg s3  }
0x17: {  	[dreg:$0x7] =	wrdreg s1;
	s1 =	sadd.s32 s22, s2;
	s22 =	simm.s32 $0x1  }
0x18: {  	s3 =	simm.s32 $0x8;
	[dreg:$0x8] =	wrdreg s1;
	s1 =	sadd.s32 s25, s2  }
0x19: {  	s25 =	simm.s32 $0x2;
	[dreg:$0x9] =	wrdreg s1;
	s1 =	simm.s32 $0x6  }
.LBB2_4:
0x1a: {  	_ =	swait.ge [sflag:s30], $0x6400  }
0x1b: {  	s6 =	sadd.s32 s11, s8;
	[sflag:s30] =	ssyncset.done $0x0  }
0x1c: {  	s6 =	sadd.s32 $0x2580, s6;
	[sflag:s30] =	ssyncadd.s32 $0xFFFF9C00  }
0x1d: {  	s6 =	sand.u32 $0x1FFFF380, s6;
	s9 =	rddreg [dreg:$0x2]  }
0x1e: {  	s6 =	sadd.s32 s9, s6  }
0x1f: {  	[hbm4b:s6+s4] =	stream.linear.scatter [tilespmem:s28], [sflag:$0x8], $0x6400, $0x38;
	[tilespmem:$0x19C80] =	vst v63  }
0x20: {  	_ =	swait.ge [sflag:s31], $0x6400  }
0x21: {  	[sflag:s31] =	ssyncset.done $0x0  }
0x22: {  	[sflag:s31] =	ssyncadd.s32 $0xFFFF9C00  }
0x23: {  	_ =	swait.ge [sflag:s1], $0x6400  }
0x24: {  	[sflag:s1] =	ssyncset.done $0x0  }
0x25: {  	[sflag:s1] =	ssyncadd.s32 $0xFFFF9C00  }
0x26: {  	_ =	swait.ge [sflag:s0], $0x6400  }
0x27: {  	[sflag:s0] =	ssyncset.done $0x0  }
0x28: {  	[sflag:s0] =	ssyncadd.s32 $0xFFFF9C00  }
0x29: {  	_ =	swait.ge [sflag:s3], $0x6400  }
0x2a: {  	s7 =	sadd.s32 $0x1, s7;
	s15 =	rddreg [dreg:$0x6]  }
0x2b: {  	p0 =	sne.s32 s7, s15  }
.Ltmp1:
0x2c: {  	_ = 	snop;
	(pc) =	sbr.rel @!p0 .LBB2_5-.Ltmp1, $3  }
0x2d: {  	_ =	sdelay $0x1  }
0x2e: {  	[sflag:s3] =	ssyncset.done $0x0  }
0x2f: {  	[sflag:s3] =	ssyncadd.s32 $0xFFFF9C00  }
.LBB2_1:
0x30: {  	s6 =	rddreg [dreg:$0x4]  }
0x31: {  	[tilespmem:s4], [sflag:$0x9] =	stream.linear.gather [hbm4b:s6+s4], $0x320, $0x38;
	[tilespmem:$0x19C80] =	vst v63  }
0x32: {  	_ =	swait.ge [sflag:s18], $0x320  }
0x33: {  	[sflag:s18] =	ssyncset.done $0x0  }
0x34: {  	[sflag:s18] =	ssyncadd.s32 $0xFFFFFCE0  }
0x35: {  	[tilespmem:s20], [sflag:$0x1] =	stream.indirect.gather [hbm4b:s5+s19], $0x20, s4, s19, $0xb8;
	[tilespmem:$0x19C80] =	vst v63  }
0x36: {  	s15 =	rddreg [dreg:$0x5]  }
0x37: {  	[tilespmem:s19], [sflag:$0x9] =	stream.linear.gather [hbm4b:s15+s4], $0x320, $0x38;
	[tilespmem:$0x19C80] =	vst v63  }
0x38: {  	_ =	swait.ge [sflag:s18], $0x320  }
0x39: {  	s15 =	rddreg [dreg:$0xa]  }
0x3a: {  	s14 =	rddreg [dreg:$0x9]  }
0x3b: {  	[sflag:s18] =	ssyncset.done $0x0;
	s13 =	rddreg [dreg:$0x8]  }
0x3c: {  	s11 =	simm.s32 $0x0;
	s9 =	rddreg [dreg:$0x7];
	[sflag:s18] =	ssyncadd.s32 $0xFFFFFCE0  }
0x3d: {  	[tilespmem:s21], [sflag:$0x2] =	stream.indirect.gather [hbm4b:s5+s19], $0x20, s19, s19, $0xb8;
	[tilespmem:$0x19C80] =	vst v63  }
.LBB2_2:
0x3e: {  	_ =	swait.ge [sflag:s22], $0x6400  }
0x3f: {  	[sflag:s22] =	ssyncset.done $0x0  }
0x40: {  	s6 =	sadd.s32 s11, s17;
	p0 =	seq.s32 s11, $0x0;
	[sflag:s22] =	ssyncadd.s32 $0xFFFF9C00  }
0x41: {  	[hbm4b:s6+s4] =	stream.linear.scatter [tilespmem:s20], [sflag:$0x5], $0x6400, $0x38;
	[tilespmem:$0x19C80] =	vst v63  }
0x42: {  	s6 =	simm.s32 @!p0 $0x7  }
0x43: {  	_ =	swait.ge @!p0 [sflag:s6], $0x6400  }
0x44: {  	[sflag:s6] =	ssyncset.done @!p0 $0x0  }
0x45: {  	[sflag:s6] =	ssyncadd.s32 @!p0 $0xFFFF9C00  }
0x46: {  	[tilespmem:s23], [sflag:$0x9] =	stream.linear.gather [hbm4b:s13+s4], $0x320, $0x38;
	[tilespmem:$0x19C80] =	vst v63  }
0x47: {  	_ =	swait.ge [sflag:s18], $0x320  }
0x48: {  	[sflag:s18] =	ssyncset.done $0x0  }
0x49: {  	[sflag:s18] =	ssyncadd.s32 $0xFFFFFCE0  }
0x4a: {  	[tilespmem:s24], [sflag:$0x3] =	stream.indirect.gather [hbm4b:s5+s19], $0x20, s23, s19, $0xb8;
	[tilespmem:$0x19C80] =	vst v63  }
0x4b: {  	_ =	swait.ge [sflag:s25], $0x6400  }
0x4c: {  	[sflag:s25] =	ssyncset.done $0x0  }
0x4d: {  	s6 =	sadd.s32 s11, s16;
	[sflag:s25] =	ssyncadd.s32 $0xFFFF9C00  }
0x4e: {  	[hbm4b:s6+s4] =	stream.linear.scatter [tilespmem:s21], [sflag:$0x6], $0x6400, $0x38;
	[tilespmem:$0x19C80] =	vst v63  }
0x4f: {  	s6 =	simm.s32 @!p0 $0x8  }
0x50: {  	_ =	swait.ge @!p0 [sflag:s6], $0x6400  }
0x51: {  	[sflag:s6] =	ssyncset.done @!p0 $0x0  }
0x52: {  	[sflag:s6] =	ssyncadd.s32 @!p0 $0xFFFF9C00  }
0x53: {  	[tilespmem:s26], [sflag:$0x9] =	stream.linear.gather [hbm4b:s9+s4], $0x320, $0x38;
	[tilespmem:$0x19C80] =	vst v63  }
0x54: {  	_ =	swait.ge [sflag:s18], $0x320  }
0x55: {  	[sflag:s18] =	ssyncset.done $0x0  }
0x56: {  	p0 =	seq.s32 s11, $0x15E00;
	[sflag:s18] =	ssyncadd.s32 $0xFFFFFCE0  }
0x57: {  	[tilespmem:s28], [sflag:$0x4] =	stream.indirect.gather [hbm4b:s5+s19], $0x20, s26, s19, $0xb8;
	[tilespmem:$0x19C80] =	vst v63  }
.Ltmp2:
0x58: {  	_ = 	snop;
	(pc) =	sbr.rel @p0 .LBB2_4-.Ltmp2, $4  }
0x59: {  	_ =	swait.ge [sflag:s29], $0x6400  }
0x5a: {  	[sflag:s29] =	ssyncset.done $0x0  }
0x5b: {  	s6 =	sadd.s32 s11, s12;
	[sflag:s29] =	ssyncadd.s32 $0xFFFF9C00  }
0x5c: {  	[hbm4b:s6+s4] =	stream.linear.scatter [tilespmem:s24], [sflag:$0x7], $0x6400, $0x38;
	[tilespmem:$0x19C80] =	vst v63  }
0x5d: {  	_ =	swait.ge [sflag:s31], $0x6400  }
0x5e: {  	s6 =	sshrl.u32 s15, $0x3;
	[sflag:s31] =	ssyncset.done $0x0  }
0x5f: {  	s6 =	sadd.s32 s2, s6;
	[sflag:s31] =	ssyncadd.s32 $0xFFFF9C00  }
0x60: {  	[tilespmem:s4], [sflag:$0x9] =	stream.linear.gather [hbm4b:s6+s4], $0x320, $0x38;
	[tilespmem:$0x19C80] =	vst v63  }
0x61: {  	_ =	swait.ge [sflag:s18], $0x320  }
0x62: {  	[sflag:s18] =	ssyncset.done $0x0  }
0x63: {  	[sflag:s18] =	ssyncadd.s32 $0xFFFFFCE0  }
0x64: {  	[tilespmem:s20], [sflag:$0x1] =	stream.indirect.gather [hbm4b:s5+s19], $0x20, s4, s19, $0xb8;
	[tilespmem:$0x19C80] =	vst v63  }
0x65: {  	_ =	swait.ge [sflag:s30], $0x6400  }
0x66: {  	[sflag:s30] =	ssyncset.done $0x0  }
0x67: {  	s6 =	sadd.s32 s11, s10;
	[sflag:s30] =	ssyncadd.s32 $0xFFFF9C00  }
0x68: {  	[hbm4b:s6+s4] =	stream.linear.scatter [tilespmem:s28], [sflag:$0x8], $0x6400, $0x38;
	[tilespmem:$0x19C80] =	vst v63  }
0x69: {  	_ =	swait.ge [sflag:s1], $0x6400  }
0x6a: {  	[sflag:s1] =	ssyncset.done $0x0  }
0x6b: {  	[sflag:s1] =	ssyncadd.s32 $0xFFFF9C00  }
0x6c: {  	[tilespmem:s19], [sflag:$0x9] =	stream.linear.gather [hbm4b:s14+s4], $0x320, $0x38;
	[tilespmem:$0x19C80] =	vst v63  }
.Ltmp3:
0x6d: {  	_ = 	snop;
	(pc) =	sbr.rel .LBB2_2-.Ltmp3, $4  }
0x6e: {  	s9 =	sadd.s32 $0x190, s9;
	_ =	swait.ge [sflag:s18], $0x320  }
0x6f: {  	s13 =	sadd.s32 $0x190, s13;
	s15 =	sadd.s32 $0xC80, s15;
	[sflag:s18] =	ssyncset.done $0x0  }
0x70: {  	s11 =	sadd.s32 $0x3200, s11;
	s14 =	sadd.s32 $0x190, s14;
	[sflag:s18] =	ssyncadd.s32 $0xFFFFFCE0  }
0x71: {  	[tilespmem:s21], [sflag:$0x2] =	stream.indirect.gather [hbm4b:s5+s19], $0x20, s19, s19, $0xb8;
	[tilespmem:$0x19C80] =	vst v63  }
.LBB2_5:
0x72: {  	_ =	sfence.sel $0x180000  }
0x73: {  	[bflag:$0x0] =	sbarrier.arrive $0xFFFF  }
0x74: {  	_ =	strace $0x90000047  }
0x75: {  	s0 =	stileid.u32;
	[bflag:$0x2] =	sbarrier.arrive $0xFFFF  }
0x76: {  	p0 =	sne.s32 s0, $0x0;
	s0 =	rddreg [dreg:$0x3]  }
0x77: {  	s0 =	sadd.s32 @!p0 $0x100000, s0  }
0x78: {  	[sflag:s0] =	ssyncadd.tile.s32 @!p0 $0x1;
	_ =	shalt  }
.Lfunc_end2:
_tile_overlayer_lowered:
.L_overlay_start_2:
0x79: {  	(tag) =	ssettag $0x2  }
0x7a: {  	s0 =	rddreg [dreg:$0x0];
	s2 =	stileid.u32  }
0x7b: {  	s1 =	rddreg [dreg:$0x1];
	p0 =	sne.s32 s2, $0x0  }
0x7c: {  	s3 =	rddreg [dreg:$0x2];
	[bflag:$0x3] =	sbarrier.arrive $0xFFFF;
	s2 =	simm.s32 @!p0 $0x1C09  }
0x7d: {  	[timem:s3], [sflag:s2] =	dma.local @!p0 [hbm:s0], s1  }
0x7e: {  	s0 =	simm.s32 @!p0 $0x9  }
0x7f: {  	_ =	swait.ge @!p0 [sflag:s0], s1  }
0x80: {  	s1 =	ssub.s32 @!p0 $0x0, s1;
	[sflag:s0] =	ssyncset.done @!p0 $0x0  }
0x81: {  	[sflag:s0] =	ssyncadd.s32 @!p0 s1  }
0x82: {  	[bflag:$0x3] =	sbarrier.arrive $0xFFFF  }
0x83: {  	_ =	shalt  }

// kernel: sparse-core-data-format-call.cloned.1.call-start
scs
called_computation_lowered:
.L_overlay_start_0:
0x0: {  	s2 =	sld [smem:$0x3FD9]  }
0x1: {  	s3 =	sld [smem:$0x3FFE];
	_ =	sdelay $0x1  }
0x2: {  	s1 =	srdreg.scid  }
0x3: {  	s0 =	sand.u32 $0x1, s1  }
0x4: {  	s18 =	sshll.u32 s0, $0xA;
	s2 =	sadd.s32 s3, s2  }
0x5: {  	s2 =	sadd.s32 s2, s18  }
0x6: {  	[smem:$0x3FC6] =	sst s2  }
0x7: {  	_ = 	snop  }
0x8: {  	s2 =	sld [smem:$0x3FD0];
	(tm) =	ssettm $0x1  }
0x9: {  	s19 =	sld [smem:$0x3FFB];
	_ =	sdelay $0x3  }
0xa: {  	_ =	strace s19  }
0xb: {  	s3 =	sld [smem:$0x3FFC];
	_ =	sdelay $0x3  }
0xc: {  	_ =	strace s3  }
0xd: {  	s3 =	sld [smem:$0x3FFD];
	_ =	sdelay $0x3  }
0xe: {  	_ =	strace s3  }
0xf: {  	_ =	strace $0x8FFFFFFF  }
0x10: {  	s20 =	sld [smem:$0x3FDB];
	_ =	sdelay $0x1  }
0x11: {  	s4 =	simm.s32 $_scs_section_size  }
0x12: {  	s5 =	simm.s32 $_size__tile_overlayer_lowered;
	s6 =	simm.s32 $_tile_overlayer_lowered  }
0x13: {  	s23 =	simm.s32 $0x1BFF;
	s22 =	sshll.u32 s6, $0x1;
	s3 =	sadd.s32 s4, s20  }
0x14: {  	s7 =	simm.s32 $0x0;
	s21 =	sshll.u32 s5, $0x1;
	s5 =	sadd.s32 s22, s3  }
0x15: {  	[timem:s7], [sflag:s23] =	dma.local [hbm:s5], s21  }
0x16: {  	_ =	swait.ge [sflag:s23], s21  }
0x17: {  	s4 =	ssub.s32 $0x0, s21;
	[sflag:s23] =	ssyncset.done $0x0  }
0x18: {  	[sflag:s23] =	ssyncadd.s32 s4;
	_ =	sdelay $0x1  }
0x19: {  	s24 =	simm.s32 $0x1B8B  }
0x1a: {  	_ =	swait.ge [sflag:s24], $0x1  }
0x1b: {  	[sflag:s24] =	ssyncset.done $0x0  }
0x1c: {  	s26 =	simm.s32 $0x1B8E;
	s25 =	sld [smem:$0x3FFE];
	[sflag:s24] =	ssyncadd.s32 $0xFFFFFFFF  }
0x1d: {  	s27 =	simm.s32 $execute0_lowered;
	[smem:$0x3FD2] =	sst s26  }
0x1e: {  	s5 =	sshll.u32 s27, $0x1;
	_ =	strace $0x80000049;
	[dreg:$0x1] =	wrdreg $0xFFFFFFFF  }
0x1f: {  	s28 =	simm.s32 $_size_execute0_lowered;
	s3 =	sadd.s32 s3, s5;
	[dreg:$0x0] =	wrdreg $0x0  }
0x20: {  	s5 =	sshll.u32 s28, $0x1;
	[dreg:$0x2] =	wrdreg s3  }
0x21: {  	[dreg:$0x3] =	wrdreg s5  }
0x22: {  	[dreg:$0x4] =	wrdreg $0xC0  }
0x23: {  	_ =	task [dreg:s7], $0x5FFFF  }
0x24: {  	[dreg:$0x1] =	wrdreg $0xFFFFFFFF  }
0x25: {  	[dreg:$0x0] =	wrdreg $0x60  }
0x26: {  	[dreg:$0x2] =	wrdreg s25  }
0x27: {  	[dreg:$0x3] =	wrdreg s2  }
0x28: {  	[dreg:$0x4] =	wrdreg $0x9  }
0x29: {  	_ =	task.clear_ibuf [dreg:s7], $0x5FFFF;
	_ =	strace $0x90000049  }
0x2a: {  	s29 =	simm.s32 $0x9;
	_ =	strace $0x8000004B  }
0x2b: {  	_ =	swait.ge [sflag:s29], $0x1  }
0x2c: {  	[sflag:s29] =	ssyncadd.s32 $0xFFFFFFFF  }
0x2d: {  	_ =	strace $0x9000004B  }
0x2e: {  	_ =	sfence  }
0x2f: {  	s30 =	sld [smem:$0x0];
	_ =	sdelay $0x2  }
0x30: {  	s31 =	sshll.u32 s1, $0xD;
	s1 =	sshrl.u32 s1, $0x2  }
0x31: {  	s3 =	sand.u32 $0x4000, s31;
	s1 =	sadd.s32 s1, s30  }
0x32: {  	s0 =	sor.u32 s3, s0;
	s1 =	sshll.u32 s1, $0x11  }
0x33: {  	s0 =	sor.u32 s1, s0  }
0x34: {  	s0 =	sadd.s32 $0x8F2B, s0  }
0x35: {  	[sflag:s0] =	ssyncadd.remote.s32 $0x1  }
0x36: {  	_ =	sfence.sel $0xFFFF  }
0x37: {  	[dreg:$0x0] =	wrdreg $0xFFFFFFFF;
	(pc) =	sbr.abs _section_cstart, $3  }
0x38: {  	[dreg:$0x1] =	wrdreg $0xFFFFFFFF  }
0x39: {  	_ =	task.clear_ibuf [dreg:s7], $0x2FFFF;
	_ =	strace $0x9FFFFFFF  }
0x3a: {  	(tm) =	ssettm $0x7FFFFFFF  }
0x3b: {  	_ =	shalt  }
tec
execute0_lowered:
.L_overlay_start_1:
0x0: {  	(tag) =	ssettag $0x1  }
0x1: {  	s0 =	srdreg.scid  }
0x2: {  	s1 =	sshll.u32 s0, $0x4  }
0x3: {  	s4 =	rddreg [dreg:$0x0];
	s0 =	stileid.u32;
	s1 =	sand.u32 $0x10, s1  }
0x4: {  	s2 =	rddreg [dreg:$0x1];
	s7 =	simm.s32 $0x1;
	s1 =	sor.u32 s0, s1  }
0x5: {  	s8 =	simm.s32 $0x2;
	s11 =	simm.s32 $0x0;
	s3 =	sshll.u32 s1, $0x7  }
0x6: {  	s10 =	simm.s32 $0x0;
	s4 =	sadd.s32 $0x800, s4;
	s6 =	ssub.s32 $0xC8000, s3  }
.Ltmp0:
0x7: {  	s1 =	rddreg [dreg:$0x2];
	s5 =	sand.u32 $0xF80, s6;
	(pc) =	sbr.rel .LBB1_1-.Ltmp0, $4  }
0x8: {  	_ =	strace $0x8000004A;
	s9 =	smov.u32 s3;
	p0 =	sne.s32 s5, $0x0  }
0x9: {  	s6 =	sshrl.u32 s6, $0xC;
	s5 =	simm.s32 $0x1;
	s7 =	simm.s32 @!p0 $0x0  }
0xa: {  	[sflag:s5] =	ssyncpa.u1 $0x0;
	p0 =	por $0x0, $0x0;
	s6 =	sadd.s32 s7, s6  }
0xb: {  	[sflag:s8] =	ssyncpa.u1 $0x0;
	s8 =	simm.s32 $0x640000;
	s7 =	sadd.s32 $0x1, s6  }
.LBB1_4:
0xc: {  	s14 =	sshll.u32 s11, $0x3  }
0xd: {  	s30 =	sand.u32 $0x7F, s11;
	s15 =	sand.u32 $0xFFFFFC00, s14  }
0xe: {  	s11 =	sor.u32 s30, s15  }
0xf: {  	s15 =	smulhi.u32 $0x51EB851F, s11  }
0x10: {  	s14 =	smulhi.u32 $0x51EB851F, s14  }
0x11: {  	s15 =	sshrl.u32 s15, $0x12  }
0x12: {  	s14 =	sshrl.u32 s14, $0x12;
	s15 =	smul.u32 $0xC8000, s15  }
0x13: {  	s14 =	sand.u32 $0x1F, s14  }
0x14: {  	s14 =	smul.u32 $0x19000, s14;
	s11 =	ssub.s32 s11, s15  }
0x15: {  	s15 =	sand.u32 $0x7, s11  }
0x16: {  	s14 =	sadd.s32 s2, s14;
	s11 =	sshrl.u32 s11, $0x3;
	s15 =	sshll.u32 s15, $0x12  }
0x17: {  	[tilespmem:s13+$0x0 ss:$0x81] =	vst.msk $0xffff, v0;
	s11 =	sadd.s32 s11, s14;
	s31 =	sor.u32 $0x400, s15  }
0x18: {  	[hbm4b:s11+s31] =	stream.strided.scatter [tilespmem:s12], [sflag:$0x2], $0x1000, s8, s31, $0x20;
	[tilespmem:$0x4040] =	vst v63  }
.LBB1_5:
0x19: {  	s13 =	sadd.s32 $0x1000, s9  }
0x1a: {  	p2 =	sgt.s32 s13, $0xC7FFF  }
0x1b: {  	s13 =	smov.u32 @p2 s3;
	p2 =	sne.s32 s10, s7  }
.Ltmp1:
0x1c: {  	p1 =	slt.u32 s10, $0x2;
	(pc) =	sbr.rel @!p2 .LBB1_6-.Ltmp1, $4  }
0x1d: {  	s12 =	simm.s32 @!p1 $0x2  }
0x1e: {  	s14 =	sadd.s32 $0x1, s10;
	_ =	swait.ge @!p1 [sflag:s12], $0x1000  }
0x1f: {  	s11 =	smov.u32 s9;
	p0 =	por !p0, !p0;
	[sflag:s12] =	ssyncset.done @!p1 $0x0  }
0x20: {  	s10 =	smov.u32 s14;
	s9 =	smov.u32 s13;
	[sflag:s12] =	ssyncadd.s32 @!p1 $0xFFFFF000  }
.LBB1_1:
0x21: {  	p1 =	sge.u32 s10, s6  }
0x22: {  	s12 =	sand.u32 @!p1 $0x1FFFFFF, s9  }
0x23: {  	s13 =	smulhi.u32 @!p1 $0x147AE15, s12;
	_ =	sdelay $0x1  }
0x24: {  	s13 =	sshrl.u32 @!p1 s13, $0xC  }
0x25: {  	s13 =	smul.u32 @!p1 $0xC8000, s13;
	_ =	sdelay $0x1  }
0x26: {  	s31 =	sadd.s32 $0xFFFFFFFF, s10;
	s14 =	sxor.u32 @!p1 $0xFFFFFFFF, s10;
	s12 =	ssub.s32 @!p1 s12, s13  }
0x27: {  	s15 =	simm.s32 @!p1 $0x80;
	s14 =	sshll.u32 @!p1 s14, $0xC;
	s12 =	sshll.u32 @!p1 s12, $0x4  }
0x28: {  	s13 =	sand.u32 @!p1 $0x1000, s14;
	s14 =	simm.s32 @!p1 $0x20;
	s12 =	sadd.s32 @!p1 s4, s12  }
0x29: {  	[tilespmem:s13], [sflag:$0x1] =	stream.strided.gather @!p1 [hbm4b:s12+s14], $0x1000, s15, s14, $0x38;
	[tilespmem:$0x4040] =	vst v63  }
0x2a: {  	p1 =	sge.u32 s31, s6  }
.Ltmp2:
0x2b: {  	_ = 	snop;
	(pc) =	sbr.rel @p1 .LBB1_5-.Ltmp2, $1  }
0x2c: {  	_ =	sdelay $0x3  }
0x2d: {  	s12 =	simm.s32 $0x1  }
0x2e: {  	_ =	swait.ge [sflag:s5], $0x1000;
	s12 =	simm.s32 @!p0 $0x0  }
0x2f: {  	[sflag:s5] =	ssyncset.done $0x0;
	s13 =	sshll.u32 s12, $0xC  }
0x30: {  	[sflag:s5] =	ssyncadd.s32 $0xFFFFF000;
	s16 =	sor.u32 $0x10, s13  }
0x31: {  	s12 =	smul.u32 $0x4080, s12;
	v1 =	vld [tilespmem:s16+$0x0]  }
0x32: {  	s30 =	sand.u32 $0x1, s10;
	v0 =	vld [tilespmem:s16+$0xFFFFFFF0]  }
0x33: {  	s13 =	smul.u32 $0x4080, s30;
	s12 =	sshrl.u32 s12, $0x2  }
0x34: {  	s14 =	sor.u32 $0x2000, s12  }
0x35: {  	s31 =	sshrl.u32 s13, $0x2;
	s13 =	sadd.s32 $0x0, s14  }
0x36: {  	s15 =	simm.s32 $0x4;
	s16 =	sadd.s32 $0x20, s16;
	s12 =	sor.u32 $0x2000, s31;
	[tilespmem:s13+$0x810 ss:$0x81] =	vst.msk $0xffff, v1  }
.LBB1_3:
0x37: {  	v1 =	vld [tilespmem:s16+$0x0];
	p1 =	sne.s32 s15, $0x1FC;
	[tilespmem:s13+$0x0 ss:$0x81] =	vst.msk $0xffff, v0;
	s13 =	smov.u32 s15;
	s15 =	sadd.s32 $0x4, s15  }
.Ltmp3:
0x38: {  	v0 =	vld [tilespmem:s16+$0xFFFFFFF0];
	(pc) =	sbr.rel @p1 .LBB1_3-.Ltmp3, $4  }
0x39: {  	_ = 	snop  }
0x3a: {  	s13 =	sshra.s32 s13, $0x2  }
0x3b: {  	s13 =	sadd.s32 s13, s14  }
0x3c: {  	s16 =	sadd.s32 $0x20, s16;
	[tilespmem:s13+$0x810 ss:$0x81] =	vst.msk $0xffff, v1  }
.Ltmp4:
0x3d: {  	_ = 	snop;
	(pc) =	sbr.rel .LBB1_4-.Ltmp4, $1  }
0x3e: {  	_ =	sdelay $0x3  }
.LBB1_6:
0x3f: {  	_ =	sfence.sel $0x180000  }
0x40: {  	s2 =	simm.s32 $0x1;
	[bflag:$0x0] =	sbarrier.arrive $0xFFFF  }
0x41: {  	s31 =	simm.s32 $0x2;
	[sflag:s2] =	ssyncpa.u1 $0x1  }
0x42: {  	[sflag:s31] =	ssyncpa.u1 $0x1  }
0x43: {  	p0 =	sne.s32 s0, $0x0;
	_ =	strace $0x9000004A  }
0x44: {  	s0 =	sadd.s32 @!p0 $0x100000, s1;
	[bflag:$0x2] =	sbarrier.arrive $0xFFFF  }
0x45: {  	[sflag:s0] =	ssyncadd.tile.s32 @!p0 $0x1;
	_ =	shalt  }
.Lfunc_end1:
_tile_overlayer_lowered:
.L_overlay_start_2:
0x46: {  	(tag) =	ssettag $0x2  }
0x47: {  	s0 =	rddreg [dreg:$0x0];
	s2 =	stileid.u32  }
0x48: {  	s1 =	rddreg [dreg:$0x1];
	p0 =	sne.s32 s2, $0x0  }
0x49: {  	s3 =	rddreg [dreg:$0x2];
	[bflag:$0x3] =	sbarrier.arrive $0xFFFF;
	s2 =	simm.s32 @!p0 $0x1C01  }
0x4a: {  	[timem:s3], [sflag:s2] =	dma.local @!p0 [hbm:s0], s1  }
0x4b: {  	s0 =	simm.s32 @!p0 $0x1  }
0x4c: {  	_ =	swait.ge @!p0 [sflag:s0], s1  }
0x4d: {  	s1 =	ssub.s32 @!p0 $0x0, s1;
	[sflag:s0] =	ssyncset.done @!p0 $0x0  }
0x4e: {  	[sflag:s0] =	ssyncadd.s32 @!p0 s1  }
0x4f: {  	[bflag:$0x3] =	sbarrier.arrive $0xFFFF  }
0x50: {  	_ =	shalt  }

</sc_bundles>
